<compile_context>
chip_gen: v7x
topology: tpu7x:2x2x1
jax: 0.10.2.dev20260603
libtpu: 0.0.44.dev20260713+nightly
codegen_flags: <defaults>
</compile_context>

<pallas_src>
import functools

import jax
import jax.numpy as jnp
from jax import lax
from jax.experimental import pallas as pl
from jax.experimental.pallas import tpu as pltpu
from jax.experimental.pallas import tpu_sc as plsc

H = 16
U = 729
N = 38416
L = 16
NW = 32
STEP = 1200
CHUNK = 1216


_mesh = plsc.VectorSubcoreMesh(core_axis_name="c", subcore_axis_name="s")


@functools.partial(
    pl.kernel,
    mesh=_mesh,
    compiler_params=pltpu.CompilerParams(
        needs_layout_passes=False, use_tc_tiling_on_sc=False
    ),
    out_type=jax.ShapeDtypeStruct((H, N), jnp.float32),
    scratch_types=[
        pltpu.VMEM((H, U), jnp.float32),
        pltpu.VMEM((CHUNK,), jnp.int32),
        pltpu.VMEM((H, CHUNK), jnp.float32),
        pltpu.SemaphoreType.DMA,
        pltpu.SemaphoreType.DMA,
        pltpu.SemaphoreType.DMA,
    ],
)
def _gather_bias(bias_hbm, idx_hbm, out_hbm, bias_v, idx_v, out_v,
                 sem_b, sem_i, sem_o):
    cid = lax.axis_index("c")
    sid = lax.axis_index("s")
    wid = sid * 2 + cid
    base = wid * STEP

    cp_b = pltpu.async_copy(bias_hbm, bias_v, sem_b)
    cp_i = pltpu.async_copy(idx_hbm.at[pl.ds(base, CHUNK)], idx_v, sem_i)
    cp_i.wait()
    cp_b.wait()

    hvs = [jnp.full((L,), h, jnp.int32) for h in range(H)]

    @plsc.parallel_loop(0, CHUNK, L, unroll=2)
    def _body(s):
        iv = idx_v[pl.ds(s, L)]
        for h in range(H):
            out_v[h, pl.ds(s, L)] = plsc.load_gather(bias_v, [hvs[h], iv])

    pltpu.sync_copy(out_v, out_hbm.at[:, pl.ds(base, CHUNK)])


def kernel(bias, index):
    out = _gather_bias(bias, index)
    return out.reshape(H, 196, 196)

# --- scband reference (transcript-rebuilt; emitter-appended) ---
"""Pipeline reference for scband-window-relative-score-bias-47510928228957 (READ-ONLY COPY).

The authoritative reference and input builder live on the scoring server;
editing this copy changes nothing except your own understanding.
"""

import jax, jax.numpy as jnp
import numpy as np

WINDOW = 14
REDUCTION = 1
NUM_HEADS = 16


def _gen_index(window_size1, window_size2, reduction):
    N1 = window_size1[0] * window_size1[1]
    N2 = window_size2[0] * window_size2[1]
    p1 = np.stack(np.meshgrid(np.arange(window_size1[0]), np.arange(window_size1[1]), indexing='ij'), axis=2).reshape(N1, 2)
    p2 = np.stack(np.meshgrid(np.arange(window_size2[0]), np.arange(window_size2[1]), indexing='ij'), axis=2).reshape(N2, 2)
    p2 = p2 * reduction
    delta = (p1[:, None, :] - p2[None, :, :]).reshape(N1 * N2, 2)
    # np.unique with axis=0 sorts rows lexicographically, matching sorted(set(tuples))
    uniq, inv = np.unique(delta, axis=0, return_inverse=True)
    return inv.astype(np.int32).reshape(-1), uniq.shape[0]


def setup_inputs(seed: int = 0) -> dict:
    key = jax.random.key(seed)
    w1 = [WINDOW, WINDOW]
    w2 = [WINDOW // REDUCTION, WINDOW // REDUCTION]
    index_np, num_unique = _gen_index(w1, w2, REDUCTION)
    index = jnp.asarray(index_np, dtype=jnp.int32)
    # learned bias table (initialized randomly instead of zeros so output is nontrivial)
    bias = jax.random.normal(key, (NUM_HEADS, num_unique), dtype=jnp.float32) * 0.02
    return {"bias": bias, "index": index}


def reference(bias, index):
    N1 = WINDOW * WINDOW
    N2 = (WINDOW // REDUCTION) * (WINDOW // REDUCTION)
    # gather: bias[:, index] then reshape to (H, N1, N2)
    out = jnp.take(bias, index, axis=1).reshape(NUM_HEADS, N1, N2)
    return out

if __name__ == "__main__":
    import jax
    _d = setup_inputs()
    print(jax.jit(kernel)(*tuple(_d.values())))

</pallas_src>

<mosaic_0001>
#map = affine_map<(d0, d1) -> (0, 0)>
#map1 = affine_map<(d0, d1) -> (0)>
module attributes {stable_mosaic.version = 14 : i64} {
  func.func @_gather_bias(%arg0: i32, %arg1: i32, %arg2: memref<16x729xf32, #tpu.memory_space<hbm>>, %arg3: memref<38416xi32, #tpu.memory_space<hbm>>, %arg4: memref<16x38416xf32, #tpu.memory_space<hbm>>, %arg5: memref<16x729xf32, #tpu.memory_space<vmem>>, %arg6: memref<1216xi32, #tpu.memory_space<vmem>>, %arg7: memref<16x1216xf32, #tpu.memory_space<vmem>>, %arg8: memref<!tpu.dma_semaphore, #tpu.memory_space<semaphore_mem>>, %arg9: memref<!tpu.dma_semaphore, #tpu.memory_space<semaphore_mem>>, %arg10: memref<!tpu.dma_semaphore, #tpu.memory_space<semaphore_mem>>) attributes {dimension_semantics = [#tpu.dimension_semantics<core_parallel>, #tpu.dimension_semantics<subcore_parallel>], iteration_bounds = array<i64: 2, 16>, scalar_prefetch = 0 : i64, scratch_operands = 6 : i64, tpu.core_type = #tpu.core_type<sc_vector_subcore>, window_params = [{transform_indices = #map}, {transform_indices = #map1}, {transform_indices = #map}]} {
    %mul3A = arith.constant 2 : i32
    %mul3A_0 = arith.muli %arg1, %mul3A : i32
    %add3A = arith.addi %mul3A_0, %arg0 : i32
    %mul3A_1 = arith.constant 1200 : i32
    %mul3A_2 = arith.muli %add3A, %mul3A_1 : i32
    tpu.enqueue_dma source(%arg2 : memref<16x729xf32, #tpu.memory_space<hbm>>) target(%arg5 : memref<16x729xf32, #tpu.memory_space<vmem>>) target_semaphore(%arg8 : memref<!tpu.dma_semaphore, #tpu.memory_space<semaphore_mem>>)
    %dma_start3A = tpu.memref_slice %arg3[%mul3A_2] : memref<38416xi32, #tpu.memory_space<hbm>> -> memref<1216xi32, #tpu.memory_space<hbm>>
    %dma_start3A_3 = tpu.memref_slice %arg3[%mul3A_2] : memref<38416xi32, #tpu.memory_space<hbm>> -> memref<1216xi32, #tpu.memory_space<hbm>>
    tpu.enqueue_dma source(%dma_start3A_3 : memref<1216xi32, #tpu.memory_space<hbm>>) target(%arg6 : memref<1216xi32, #tpu.memory_space<vmem>>) target_semaphore(%arg9 : memref<!tpu.dma_semaphore, #tpu.memory_space<semaphore_mem>>)
    %dma_wait3A = tpu.memref_slice %arg3[%mul3A_2] : memref<38416xi32, #tpu.memory_space<hbm>> -> memref<1216xi32, #tpu.memory_space<hbm>>
    %dma_wait3A_4 = tpu.memref_slice %arg3[%mul3A_2] : memref<38416xi32, #tpu.memory_space<hbm>> -> memref<1216xi32, #tpu.memory_space<hbm>>
    tpu.wait_dma2 semaphore(%arg9 : memref<!tpu.dma_semaphore, #tpu.memory_space<semaphore_mem>>) src(%dma_wait3A_4 : memref<1216xi32, #tpu.memory_space<hbm>>) dst(%arg6 : memref<1216xi32, #tpu.memory_space<vmem>>)
    tpu.wait_dma2 semaphore(%arg8 : memref<!tpu.dma_semaphore, #tpu.memory_space<semaphore_mem>>) src(%arg2 : memref<16x729xf32, #tpu.memory_space<hbm>>) dst(%arg5 : memref<16x729xf32, #tpu.memory_space<vmem>>)
    %broadcast_in_dim3A = arith.constant 0 : i32
    %broadcast_in_dim3A_5 = vector.broadcast %broadcast_in_dim3A : i32 to vector<16xi32>
    %broadcast_in_dim3A_6 = arith.constant 1 : i32
    %broadcast_in_dim3A_7 = vector.broadcast %broadcast_in_dim3A_6 : i32 to vector<16xi32>
    %broadcast_in_dim3A_8 = arith.constant 2 : i32
    %broadcast_in_dim3A_9 = vector.broadcast %broadcast_in_dim3A_8 : i32 to vector<16xi32>
    %broadcast_in_dim3A_10 = arith.constant 3 : i32
    %broadcast_in_dim3A_11 = vector.broadcast %broadcast_in_dim3A_10 : i32 to vector<16xi32>
    %broadcast_in_dim3A_12 = arith.constant 4 : i32
    %broadcast_in_dim3A_13 = vector.broadcast %broadcast_in_dim3A_12 : i32 to vector<16xi32>
    %broadcast_in_dim3A_14 = arith.constant 5 : i32
    %broadcast_in_dim3A_15 = vector.broadcast %broadcast_in_dim3A_14 : i32 to vector<16xi32>
    %broadcast_in_dim3A_16 = arith.constant 6 : i32
    %broadcast_in_dim3A_17 = vector.broadcast %broadcast_in_dim3A_16 : i32 to vector<16xi32>
    %broadcast_in_dim3A_18 = arith.constant 7 : i32
    %broadcast_in_dim3A_19 = vector.broadcast %broadcast_in_dim3A_18 : i32 to vector<16xi32>
    %broadcast_in_dim3A_20 = arith.constant 8 : i32
    %broadcast_in_dim3A_21 = vector.broadcast %broadcast_in_dim3A_20 : i32 to vector<16xi32>
    %broadcast_in_dim3A_22 = arith.constant 9 : i32
    %broadcast_in_dim3A_23 = vector.broadcast %broadcast_in_dim3A_22 : i32 to vector<16xi32>
    %broadcast_in_dim3A_24 = arith.constant 10 : i32
    %broadcast_in_dim3A_25 = vector.broadcast %broadcast_in_dim3A_24 : i32 to vector<16xi32>
    %broadcast_in_dim3A_26 = arith.constant 11 : i32
    %broadcast_in_dim3A_27 = vector.broadcast %broadcast_in_dim3A_26 : i32 to vector<16xi32>
    %broadcast_in_dim3A_28 = arith.constant 12 : i32
    %broadcast_in_dim3A_29 = vector.broadcast %broadcast_in_dim3A_28 : i32 to vector<16xi32>
    %broadcast_in_dim3A_30 = arith.constant 13 : i32
    %broadcast_in_dim3A_31 = vector.broadcast %broadcast_in_dim3A_30 : i32 to vector<16xi32>
    %broadcast_in_dim3A_32 = arith.constant 14 : i32
    %broadcast_in_dim3A_33 = vector.broadcast %broadcast_in_dim3A_32 : i32 to vector<16xi32>
    %broadcast_in_dim3A_34 = arith.constant 15 : i32
    %broadcast_in_dim3A_35 = vector.broadcast %broadcast_in_dim3A_34 : i32 to vector<16xi32>
    %parallel_loop3A = arith.constant 0 : i32
    %parallel_loop3A_36 = arith.constant 1216 : i32
    %parallel_loop3A_37 = arith.constant 16 : i32
    scf.for %parallel_loop3A_38 = %parallel_loop3A to %parallel_loop3A_36 step %parallel_loop3A_37  : i32 {
      %parallel_loop3A_39 = arith.index_cast %parallel_loop3A_38 : i32 to index
      %parallel_loop3A_40 = tpu.vector_load %arg6[%parallel_loop3A_39] {strides = array<i32>} : memref<1216xi32, #tpu.memory_space<vmem>>, vector<16xi32>,
      %parallel_loop3A_41 = tpu.vector_load_idx %arg5[%broadcast_in_dim3A_5, %parallel_loop3A_40] : memref<16x729xf32, #tpu.memory_space<vmem>>[vector<16xi32>, vector<16xi32>], vector<16xf32>,
      %parallel_loop3A_42 = arith.constant 0 : i32
      %parallel_loop3A_43 = arith.index_cast %parallel_loop3A_42 : i32 to index
      %parallel_loop3A_44 = arith.index_cast %parallel_loop3A_38 : i32 to index
      %parallel_loop3A_45 = tpu.vector_load %arg7[%parallel_loop3A_43, %parallel_loop3A_44] {strides = array<i32>} : memref<16x1216xf32, #tpu.memory_space<vmem>>, vector<16xf32>,
      tpu.vector_store %arg7[%parallel_loop3A_43, %parallel_loop3A_44], %parallel_loop3A_41 {strides = array<i32>} : memref<16x1216xf32, #tpu.memory_space<vmem>>, vector<16xf32>,
      %parallel_loop3A_46 = tpu.vector_load_idx %arg5[%broadcast_in_dim3A_7, %parallel_loop3A_40] : memref<16x729xf32, #tpu.memory_space<vmem>>[vector<16xi32>, vector<16xi32>], vector<16xf32>,
      %parallel_loop3A_47 = arith.constant 1 : i32
      %parallel_loop3A_48 = arith.index_cast %parallel_loop3A_47 : i32 to index
      %parallel_loop3A_49 = arith.index_cast %parallel_loop3A_38 : i32 to index
      %parallel_loop3A_50 = tpu.vector_load %arg7[%parallel_loop3A_48, %parallel_loop3A_49] {strides = array<i32>} : memref<16x1216xf32, #tpu.memory_space<vmem>>, vector<16xf32>,
      tpu.vector_store %arg7[%parallel_loop3A_48, %parallel_loop3A_49], %parallel_loop3A_46 {strides = array<i32>} : memref<16x1216xf32, #tpu.memory_space<vmem>>, vector<16xf32>,
      %parallel_loop3A_51 = tpu.vector_load_idx %arg5[%broadcast_in_dim3A_9, %parallel_loop3A_40] : memref<16x729xf32, #tpu.memory_space<vmem>>[vector<16xi32>, vector<16xi32>], vector<16xf32>,
      %parallel_loop3A_52 = arith.constant 2 : i32
      %parallel_loop3A_53 = arith.index_cast %parallel_loop3A_52 : i32 to index
      %parallel_loop3A_54 = arith.index_cast %parallel_loop3A_38 : i32 to index
      %parallel_loop3A_55 = tpu.vector_load %arg7[%parallel_loop3A_53, %parallel_loop3A_54] {strides = array<i32>} : memref<16x1216xf32, #tpu.memory_space<vmem>>, vector<16xf32>,
      tpu.vector_store %arg7[%parallel_loop3A_53, %parallel_loop3A_54], %parallel_loop3A_51 {strides = array<i32>} : memref<16x1216xf32, #tpu.memory_space<vmem>>, vector<16xf32>,
      %parallel_loop3A_56 = tpu.vector_load_idx %arg5[%broadcast_in_dim3A_11, %parallel_loop3A_40] : memref<16x729xf32, #tpu.memory_space<vmem>>[vector<16xi32>, vector<16xi32>], vector<16xf32>,
      %parallel_loop3A_57 = arith.constant 3 : i32
      %parallel_loop3A_58 = arith.index_cast %parallel_loop3A_57 : i32 to index
      %parallel_loop3A_59 = arith.index_cast %parallel_loop3A_38 : i32 to index
      %parallel_loop3A_60 = tpu.vector_load %arg7[%parallel_loop3A_58, %parallel_loop3A_59] {strides = array<i32>} : memref<16x1216xf32, #tpu.memory_space<vmem>>, vector<16xf32>,
      tpu.vector_store %arg7[%parallel_loop3A_58, %parallel_loop3A_59], %parallel_loop3A_56 {strides = array<i32>} : memref<16x1216xf32, #tpu.memory_space<vmem>>, vector<16xf32>,
      %parallel_loop3A_61 = tpu.vector_load_idx %arg5[%broadcast_in_dim3A_13, %parallel_loop3A_40] : memref<16x729xf32, #tpu.memory_space<vmem>>[vector<16xi32>, vector<16xi32>], vector<16xf32>,
      %parallel_loop3A_62 = arith.constant 4 : i32
      %parallel_loop3A_63 = arith.index_cast %parallel_loop3A_62 : i32 to index
      %parallel_loop3A_64 = arith.index_cast %parallel_loop3A_38 : i32 to index
      %parallel_loop3A_65 = tpu.vector_load %arg7[%parallel_loop3A_63, %parallel_loop3A_64] {strides = array<i32>} : memref<16x1216xf32, #tpu.memory_space<vmem>>, vector<16xf32>,
      tpu.vector_store %arg7[%parallel_loop3A_63, %parallel_loop3A_64], %parallel_loop3A_61 {strides = array<i32>} : memref<16x1216xf32, #tpu.memory_space<vmem>>, vector<16xf32>,
      %parallel_loop3A_66 = tpu.vector_load_idx %arg5[%broadcast_in_dim3A_15, %parallel_loop3A_40] : memref<16x729xf32, #tpu.memory_space<vmem>>[vector<16xi32>, vector<16xi32>], vector<16xf32>,
      %parallel_loop3A_67 = arith.constant 5 : i32
      %parallel_loop3A_68 = arith.index_cast %parallel_loop3A_67 : i32 to index
      %parallel_loop3A_69 = arith.index_cast %parallel_loop3A_38 : i32 to index
      %parallel_loop3A_70 = tpu.vector_load %arg7[%parallel_loop3A_68, %parallel_loop3A_69] {strides = array<i32>} : memref<16x1216xf32, #tpu.memory_space<vmem>>, vector<16xf32>,
      tpu.vector_store %arg7[%parallel_loop3A_68, %parallel_loop3A_69], %parallel_loop3A_66 {strides = array<i32>} : memref<16x1216xf32, #tpu.memory_space<vmem>>, vector<16xf32>,
      %parallel_loop3A_71 = tpu.vector_load_idx %arg5[%broadcast_in_dim3A_17, %parallel_loop3A_40] : memref<16x729xf32, #tpu.memory_space<vmem>>[vector<16xi32>, vector<16xi32>], vector<16xf32>,
      %parallel_loop3A_72 = arith.constant 6 : i32
      %parallel_loop3A_73 = arith.index_cast %parallel_loop3A_72 : i32 to index
      %parallel_loop3A_74 = arith.index_cast %parallel_loop3A_38 : i32 to index
      %parallel_loop3A_75 = tpu.vector_load %arg7[%parallel_loop3A_73, %parallel_loop3A_74] {strides = array<i32>} : memref<16x1216xf32, #tpu.memory_space<vmem>>, vector<16xf32>,
      tpu.vector_store %arg7[%parallel_loop3A_73, %parallel_loop3A_74], %parallel_loop3A_71 {strides = array<i32>} : memref<16x1216xf32, #tpu.memory_space<vmem>>, vector<16xf32>,
      %parallel_loop3A_76 = tpu.vector_load_idx %arg5[%broadcast_in_dim3A_19, %parallel_loop3A_40] : memref<16x729xf32, #tpu.memory_space<vmem>>[vector<16xi32>, vector<16xi32>], vector<16xf32>,
      %parallel_loop3A_77 = arith.constant 7 : i32
      %parallel_loop3A_78 = arith.index_cast %parallel_loop3A_77 : i32 to index
      %parallel_loop3A_79 = arith.index_cast %parallel_loop3A_38 : i32 to index
      %parallel_loop3A_80 = tpu.vector_load %arg7[%parallel_loop3A_78, %parallel_loop3A_79] {strides = array<i32>} : memref<16x1216xf32, #tpu.memory_space<vmem>>, vector<16xf32>,
      tpu.vector_store %arg7[%parallel_loop3A_78, %parallel_loop3A_79], %parallel_loop3A_76 {strides = array<i32>} : memref<16x1216xf32, #tpu.memory_space<vmem>>, vector<16xf32>,
      %parallel_loop3A_81 = tpu.vector_load_idx %arg5[%broadcast_in_dim3A_21, %parallel_loop3A_40] : memref<16x729xf32, #tpu.memory_space<vmem>>[vector<16xi32>, vector<16xi32>], vector<16xf32>,
      %parallel_loop3A_82 = arith.constant 8 : i32
      %parallel_loop3A_83 = arith.index_cast %parallel_loop3A_82 : i32 to index
      %parallel_loop3A_84 = arith.index_cast %parallel_loop3A_38 : i32 to index
      %parallel_loop3A_85 = tpu.vector_load %arg7[%parallel_loop3A_83, %parallel_loop3A_84] {strides = array<i32>} : memref<16x1216xf32, #tpu.memory_space<vmem>>, vector<16xf32>,
      tpu.vector_store %arg7[%parallel_loop3A_83, %parallel_loop3A_84], %parallel_loop3A_81 {strides = array<i32>} : memref<16x1216xf32, #tpu.memory_space<vmem>>, vector<16xf32>,
      %parallel_loop3A_86 = tpu.vector_load_idx %arg5[%broadcast_in_dim3A_23, %parallel_loop3A_40] : memref<16x729xf32, #tpu.memory_space<vmem>>[vector<16xi32>, vector<16xi32>], vector<16xf32>,
      %parallel_loop3A_87 = arith.constant 9 : i32
      %parallel_loop3A_88 = arith.index_cast %parallel_loop3A_87 : i32 to index
      %parallel_loop3A_89 = arith.index_cast %parallel_loop3A_38 : i32 to index
      %parallel_loop3A_90 = tpu.vector_load %arg7[%parallel_loop3A_88, %parallel_loop3A_89] {strides = array<i32>} : memref<16x1216xf32, #tpu.memory_space<vmem>>, vector<16xf32>,
      tpu.vector_store %arg7[%parallel_loop3A_88, %parallel_loop3A_89], %parallel_loop3A_86 {strides = array<i32>} : memref<16x1216xf32, #tpu.memory_space<vmem>>, vector<16xf32>,
      %parallel_loop3A_91 = tpu.vector_load_idx %arg5[%broadcast_in_dim3A_25, %parallel_loop3A_40] : memref<16x729xf32, #tpu.memory_space<vmem>>[vector<16xi32>, vector<16xi32>], vector<16xf32>,
      %parallel_loop3A_92 = arith.constant 10 : i32
      %parallel_loop3A_93 = arith.index_cast %parallel_loop3A_92 : i32 to index
      %parallel_loop3A_94 = arith.index_cast %parallel_loop3A_38 : i32 to index
      %parallel_loop3A_95 = tpu.vector_load %arg7[%parallel_loop3A_93, %parallel_loop3A_94] {strides = array<i32>} : memref<16x1216xf32, #tpu.memory_space<vmem>>, vector<16xf32>,
      tpu.vector_store %arg7[%parallel_loop3A_93, %parallel_loop3A_94], %parallel_loop3A_91 {strides = array<i32>} : memref<16x1216xf32, #tpu.memory_space<vmem>>, vector<16xf32>,
      %parallel_loop3A_96 = tpu.vector_load_idx %arg5[%broadcast_in_dim3A_27, %parallel_loop3A_40] : memref<16x729xf32, #tpu.memory_space<vmem>>[vector<16xi32>, vector<16xi32>], vector<16xf32>,
      %parallel_loop3A_97 = arith.constant 11 : i32
      %parallel_loop3A_98 = arith.index_cast %parallel_loop3A_97 : i32 to index
      %parallel_loop3A_99 = arith.index_cast %parallel_loop3A_38 : i32 to index
      %parallel_loop3A_100 = tpu.vector_load %arg7[%parallel_loop3A_98, %parallel_loop3A_99] {strides = array<i32>} : memref<16x1216xf32, #tpu.memory_space<vmem>>, vector<16xf32>,
      tpu.vector_store %arg7[%parallel_loop3A_98, %parallel_loop3A_99], %parallel_loop3A_96 {strides = array<i32>} : memref<16x1216xf32, #tpu.memory_space<vmem>>, vector<16xf32>,
      %parallel_loop3A_101 = tpu.vector_load_idx %arg5[%broadcast_in_dim3A_29, %parallel_loop3A_40] : memref<16x729xf32, #tpu.memory_space<vmem>>[vector<16xi32>, vector<16xi32>], vector<16xf32>,
      %parallel_loop3A_102 = arith.constant 12 : i32
      %parallel_loop3A_103 = arith.index_cast %parallel_loop3A_102 : i32 to index
      %parallel_loop3A_104 = arith.index_cast %parallel_loop3A_38 : i32 to index
      %parallel_loop3A_105 = tpu.vector_load %arg7[%parallel_loop3A_103, %parallel_loop3A_104] {strides = array<i32>} : memref<16x1216xf32, #tpu.memory_space<vmem>>, vector<16xf32>,
      tpu.vector_store %arg7[%parallel_loop3A_103, %parallel_loop3A_104], %parallel_loop3A_101 {strides = array<i32>} : memref<16x1216xf32, #tpu.memory_space<vmem>>, vector<16xf32>,
      %parallel_loop3A_106 = tpu.vector_load_idx %arg5[%broadcast_in_dim3A_31, %parallel_loop3A_40] : memref<16x729xf32, #tpu.memory_space<vmem>>[vector<16xi32>, vector<16xi32>], vector<16xf32>,
      %parallel_loop3A_107 = arith.constant 13 : i32
      %parallel_loop3A_108 = arith.index_cast %parallel_loop3A_107 : i32 to index
      %parallel_loop3A_109 = arith.index_cast %parallel_loop3A_38 : i32 to index
      %parallel_loop3A_110 = tpu.vector_load %arg7[%parallel_loop3A_108, %parallel_loop3A_109] {strides = array<i32>} : memref<16x1216xf32, #tpu.memory_space<vmem>>, vector<16xf32>,
      tpu.vector_store %arg7[%parallel_loop3A_108, %parallel_loop3A_109], %parallel_loop3A_106 {strides = array<i32>} : memref<16x1216xf32, #tpu.memory_space<vmem>>, vector<16xf32>,
      %parallel_loop3A_111 = tpu.vector_load_idx %arg5[%broadcast_in_dim3A_33, %parallel_loop3A_40] : memref<16x729xf32, #tpu.memory_space<vmem>>[vector<16xi32>, vector<16xi32>], vector<16xf32>,
      %parallel_loop3A_112 = arith.constant 14 : i32
      %parallel_loop3A_113 = arith.index_cast %parallel_loop3A_112 : i32 to index
      %parallel_loop3A_114 = arith.index_cast %parallel_loop3A_38 : i32 to index
      %parallel_loop3A_115 = tpu.vector_load %arg7[%parallel_loop3A_113, %parallel_loop3A_114] {strides = array<i32>} : memref<16x1216xf32, #tpu.memory_space<vmem>>, vector<16xf32>,
      tpu.vector_store %arg7[%parallel_loop3A_113, %parallel_loop3A_114], %parallel_loop3A_111 {strides = array<i32>} : memref<16x1216xf32, #tpu.memory_space<vmem>>, vector<16xf32>,
      %parallel_loop3A_116 = tpu.vector_load_idx %arg5[%broadcast_in_dim3A_35, %parallel_loop3A_40] : memref<16x729xf32, #tpu.memory_space<vmem>>[vector<16xi32>, vector<16xi32>], vector<16xf32>,
      %parallel_loop3A_117 = arith.constant 15 : i32
      %parallel_loop3A_118 = arith.index_cast %parallel_loop3A_117 : i32 to index
      %parallel_loop3A_119 = arith.index_cast %parallel_loop3A_38 : i32 to index
      %parallel_loop3A_120 = tpu.vector_load %arg7[%parallel_loop3A_118, %parallel_loop3A_119] {strides = array<i32>} : memref<16x1216xf32, #tpu.memory_space<vmem>>, vector<16xf32>,
      tpu.vector_store %arg7[%parallel_loop3A_118, %parallel_loop3A_119], %parallel_loop3A_116 {strides = array<i32>} : memref<16x1216xf32, #tpu.memory_space<vmem>>, vector<16xf32>,
    } {sc.loop_unroll_factor = 2 : i64, sc.parallel_access}
    "tpu.region"() ({
      %run_scoped3A = tpu.sem_alloc : memref<!tpu.dma_semaphore, #tpu.memory_space<semaphore_mem>>
      %dma_start3A_38 = arith.constant 0 : i32
      %dma_start3A_39 = tpu.memref_slice %arg4[%dma_start3A_38, %mul3A_2] : memref<16x38416xf32, #tpu.memory_space<hbm>> -> memref<16x1216xf32, #tpu.memory_space<hbm>>
      %dma_start3A_40 = arith.constant 0 : i32
      %dma_start3A_41 = tpu.memref_slice %arg4[%dma_start3A_40, %mul3A_2] : memref<16x38416xf32, #tpu.memory_space<hbm>> -> memref<16x1216xf32, #tpu.memory_space<hbm>>
      tpu.enqueue_dma source(%arg7 : memref<16x1216xf32, #tpu.memory_space<vmem>>) target(%dma_start3A_41 : memref<16x1216xf32, #tpu.memory_space<hbm>>) target_semaphore(%run_scoped3A : memref<!tpu.dma_semaphore, #tpu.memory_space<semaphore_mem>>)
      %dma_wait3A_42 = arith.constant 0 : i32
      %dma_wait3A_43 = tpu.memref_slice %arg4[%dma_wait3A_42, %mul3A_2] : memref<16x38416xf32, #tpu.memory_space<hbm>> -> memref<16x1216xf32, #tpu.memory_space<hbm>>
      %dma_wait3A_44 = arith.constant 0 : i32
      %dma_wait3A_45 = tpu.memref_slice %arg4[%dma_wait3A_44, %mul3A_2] : memref<16x38416xf32, #tpu.memory_space<hbm>> -> memref<16x1216xf32, #tpu.memory_space<hbm>>
      tpu.wait_dma2 semaphore(%run_scoped3A : memref<!tpu.dma_semaphore, #tpu.memory_space<semaphore_mem>>) src(%arg7 : memref<16x1216xf32, #tpu.memory_space<vmem>>) dst(%dma_wait3A_45 : memref<16x1216xf32, #tpu.memory_space<hbm>>)
      tpu.yield
    }) : () -> ()
    return
  }
}

</mosaic_0001>

<sc_bundles>
// kernel: kernel.3.cloned.1.call-start
scs
__scs_entry_jumppad:
0x0: {  	(pc) =	sbr.rel $0x88, $3  }
0x1: {  	(tag) =	ssettag $0x0;
	lr =	simm.s32 $0x1  }
0x2: {  	[smem:$0x3F9F] =	sst lr;
	_ =	strace $0xD0000000  }
0x3: {  	_ = 	snop  }
0x4: {  	_ = 	snop  }
0x5: {  	_ = 	snop  }
0x6: {  	_ = 	snop  }
0x7: {  	_ = 	snop  }
__scs_overlays_trampoline_lowered:
0x8: {  	[smem:$0x3FAE] =	sst s0  }
0x9: {  	[smem:$0x3FAF] =	sst s1  }
0xa: {  	[smem:$0x3FB0] =	sst s2  }
0xb: {  	[smem:$0x3FB1] =	sst s3  }
0xc: {  	[smem:$0x3FB2] =	sst s4  }
0xd: {  	[smem:$0x3FB3] =	sst s5  }
0xe: {  	[smem:$0x3FB4] =	sst s6  }
0xf: {  	[smem:$0x3FB5] =	sst s7  }
0x10: {  	[smem:$0x3FB6] =	sst s8  }
0x11: {  	[smem:$0x3FB7] =	sst s9;
	s0 =	simm.s32 @!p0 $0x0  }
0x12: {  	s1 =	sld [smem:$0x3F9D];
	s0 =	simm.s32 @p0 $0x1  }
0x13: {  	[smem:$0x3FB8] =	sst s0;
	s0 =	simm.s32 @!p1 $0x0  }
0x14: {  	s2 =	sld [smem:$0x3F9C];
	s0 =	simm.s32 @p1 $0x1  }
0x15: {  	[smem:$0x3FB9] =	sst s0;
	s0 =	simm.s32 @!p2 $0x0  }
0x16: {  	s3 =	sld [smem:$0x3FDB];
	s0 =	simm.s32 @p2 $0x1  }
0x17: {  	s4 =	simm.s32 $0x1BF5;
	[smem:$0x3FBB] =	sst s0  }
0x18: {  	s0 =	sld [smem:$0x3F9E];
	_ =	swait.ge [sflag:s4], $0x0  }
0x19: {  	s7 =	sld [smem:$0x3F9F]  }
0x1a: {  	s8 =	sadd.s32 $0xFFFFE003, lr  }
0x1b: {  	s9 =	sadd.s32 $0xFFFFFEF7, lr;
	s5 =	simm.s32 $0xFFFFFFFF;
	p2 =	slt.u32 s8, $0xFFFFF086  }
0x1c: {  	p1 =	slt.u32 s9, $0xF7A;
	s5 =	simm.s32 @!p2 $0x0  }
0x1d: {  	s5 =	simm.s32 @p1 $0x1;
	p0 =	seq.s32 s7, s2  }
0x1e: {  	s7 =	smul.u32 @!p0 $0xF7A, s2;
	p2 =	seq.s32 @!p0 s5, $0x0  }
0x1f: {  	s9 =	smul.u32 $0xF7A, s1;
	s8 =	simm.s32 @!p0 $0x1BF5;
	p2 =	por !p2, p0  }
0x20: {  	[sflag:s8] =	ssyncset.s32 @!p0 $0xFFFFF086;
	s6 =	sadd.s32 @!p0 s3, s7;
	s7 =	simm.s32 @!p0 $0x108  }
0x21: {  	s3 =	sadd.s32 s3, s9;
	s6 =	sadd.s32 @!p0 $0x88, s6;
	s7 =	simm.s32 @p2 $0x1082  }
0x22: {  	[simem:s7], [sflag:s8] =	dma.local @!p0 [hbm:s6], $0xF7A  }
0x23: {  	s9 =	sor.u32 $0xD0000000, s2;
	s6 =	simm.s32 $0x108;
	_ =	swait.ge @!p0 [sflag:s8], $0x0  }
0x24: {  	s3 =	sadd.s32 $0x88, s3;
	s6 =	simm.s32 @!p1 $0x1082;
	[sflag:s4] =	ssyncset.s32 $0xFFFFF086  }
0x25: {  	[simem:s6], [sflag:s4] =	dma.local [hbm:s3], $0xF7A  }
0x26: {  	[smem:$0x3F9F] =	sst s1;
	(tag) =	ssettag s2;
	_ =	strace s9  }
0x27: {  	s1 =	sld [smem:$0x3FAF]  }
0x28: {  	s2 =	sld [smem:$0x3FB0]  }
0x29: {  	s4 =	sld [smem:$0x3FB2]  }
0x2a: {  	p0 =	seq.s32 s5, $0x0;
	s5 =	sld [smem:$0x3FB3]  }
0x2b: {  	s6 =	sld [smem:$0x3FB4]  }
0x2c: {  	s7 =	sld [smem:$0x3FB5]  }
0x2d: {  	s3 =	simm.s32 $0x108;
	s8 =	sld [smem:$0x3FB6]  }
0x2e: {  	s3 =	simm.s32 @!p0 $0x1082;
	s9 =	sld [smem:$0x3FB7]  }
0x2f: {  	lr =	sadd.s32 s0, s3;
	s0 =	sld [smem:$0x3FAE]  }
0x30: {  	s3 =	sld [smem:$0x3FB1]  }
0x31: {  	[smem:$0x3FBA] =	sst s10  }
0x32: {  	s10 =	sld [smem:$0x3FB8];
	_ =	sdelay $0x3  }
0x33: {  	p0 =	seq.s32 s10, $0x1;
	s10 =	sld [smem:$0x3FBA];
	_ =	sdelay $0x3  }
0x34: {  	[smem:$0x3FBA] =	sst s10  }
0x35: {  	s10 =	sld [smem:$0x3FB9];
	_ =	sdelay $0x3  }
0x36: {  	p1 =	seq.s32 s10, $0x1;
	s10 =	sld [smem:$0x3FBA];
	_ =	sdelay $0x3  }
0x37: {  	[smem:$0x3FBA] =	sst s10  }
0x38: {  	s10 =	sld [smem:$0x3FBB]  }
0x39: {  	_ = 	snop;
	(pc) =	sbr.ind lr, $3  }
0x3a: {  	_ = 	snop  }
0x3b: {  	_ = 	snop  }
0x3c: {  	p2 =	seq.s32 s10, $0x1;
	s10 =	sld [smem:$0x3FBA]  }
0x3d: {  	_ =	shalt  }
0x3e: {  	_ =	shalt  }
0x3f: {  	_ =	shalt  }
0x40: {  	_ =	shalt  }
0x41: {  	_ =	shalt  }
0x42: {  	_ =	shalt  }
0x43: {  	_ =	shalt  }
0x44: {  	_ =	shalt  }
0x45: {  	_ =	shalt  }
0x46: {  	_ =	shalt  }
0x47: {  	_ =	shalt  }
0x48: {  	_ =	shalt  }
0x49: {  	_ =	shalt  }
0x4a: {  	_ =	shalt  }
0x4b: {  	_ =	shalt  }
0x4c: {  	_ =	shalt  }
0x4d: {  	_ =	shalt  }
0x4e: {  	_ =	shalt  }
0x4f: {  	_ =	shalt  }
0x50: {  	_ =	shalt  }
0x51: {  	_ =	shalt  }
0x52: {  	_ =	shalt  }
0x53: {  	_ =	shalt  }
0x54: {  	_ =	shalt  }
0x55: {  	_ =	shalt  }
0x56: {  	_ =	shalt  }
0x57: {  	_ =	shalt  }
0x58: {  	_ =	shalt  }
0x59: {  	_ =	shalt  }
0x5a: {  	_ =	shalt  }
0x5b: {  	_ =	shalt  }
0x5c: {  	_ =	shalt  }
0x5d: {  	_ =	shalt  }
0x5e: {  	_ =	shalt  }
0x5f: {  	_ =	shalt  }
0x60: {  	_ =	shalt  }
0x61: {  	_ =	shalt  }
0x62: {  	_ =	shalt  }
0x63: {  	_ =	shalt  }
0x64: {  	_ =	shalt  }
0x65: {  	_ =	shalt  }
0x66: {  	_ =	shalt  }
0x67: {  	_ =	shalt  }
0x68: {  	_ =	shalt  }
0x69: {  	_ =	shalt  }
0x6a: {  	_ =	shalt  }
0x6b: {  	_ =	shalt  }
0x6c: {  	_ =	shalt  }
0x6d: {  	_ =	shalt  }
0x6e: {  	_ =	shalt  }
0x6f: {  	_ =	shalt  }
0x70: {  	_ =	shalt  }
0x71: {  	_ =	shalt  }
0x72: {  	_ =	shalt  }
0x73: {  	_ =	shalt  }
0x74: {  	_ =	shalt  }
0x75: {  	_ =	shalt  }
0x76: {  	_ =	shalt  }
0x77: {  	_ =	shalt  }
0x78: {  	_ =	shalt  }
0x79: {  	_ =	shalt  }
0x7a: {  	_ =	shalt  }
0x7b: {  	_ =	shalt  }
0x7c: {  	_ =	shalt  }
0x7d: {  	_ =	shalt  }
0x7e: {  	_ =	shalt  }
0x7f: {  	_ =	shalt  }
0x80: {  	_ =	shalt  }
0x81: {  	_ =	shalt  }
0x82: {  	_ =	shalt  }
0x83: {  	_ =	shalt  }
0x84: {  	_ =	shalt  }
0x85: {  	_ =	shalt  }
0x86: {  	_ =	shalt  }
0x87: {  	_ =	shalt  }
.Lfunc_end0:
.L_simem_size_0:
called_computation_lowered:
.L_overlay_start_0:
0x88: {  	s2 =	sld [smem:$0x3FD9]  }
0x89: {  	s3 =	sld [smem:$0x3FFE];
	_ =	sdelay $0x1  }
0x8a: {  	s1 =	srdreg.scid  }
0x8b: {  	s0 =	sand.u32 $0x1, s1  }
0x8c: {  	s17 =	sshll.u32 s0, $0xA;
	s2 =	sadd.s32 s3, s2  }
0x8d: {  	s2 =	sadd.s32 s2, s17  }
0x8e: {  	[smem:$0x3FC6] =	sst s2  }
0x8f: {  	_ = 	snop  }
0x90: {  	s2 =	sld [smem:$0x3FC8]  }
0x91: {  	s18 =	sld [smem:$0x3FD0];
	(tm) =	ssettm $0x1  }
0x92: {  	s4 =	sld [smem:$0x3FFB];
	_ =	sdelay $0x3  }
0x93: {  	_ =	strace s4  }
0x94: {  	s4 =	sld [smem:$0x3FFC];
	_ =	sdelay $0x3  }
0x95: {  	_ =	strace s4  }
0x96: {  	s4 =	sld [smem:$0x3FFD];
	_ =	sdelay $0x3  }
0x97: {  	_ =	strace s4  }
0x98: {  	_ =	strace $0x8FFFFFFF  }
0x99: {  	s19 =	sld [smem:$0x3FDB];
	_ =	sdelay $0x1  }
0x9a: {  	s5 =	simm.s32 $_scs_section_size  }
0x9b: {  	s6 =	simm.s32 $_size__tile_overlayer_lowered;
	s7 =	simm.s32 $_tile_overlayer_lowered  }
0x9c: {  	s22 =	simm.s32 $0x1BFF;
	s21 =	sshll.u32 s7, $0x1;
	s4 =	sadd.s32 s5, s19  }
0x9d: {  	s8 =	simm.s32 $0x0;
	s20 =	sshll.u32 s6, $0x1;
	s6 =	sadd.s32 s21, s4  }
0x9e: {  	[timem:s8], [sflag:s22] =	dma.local [hbm:s6], s20  }
0x9f: {  	_ =	swait.ge [sflag:s22], s20  }
0xa0: {  	s5 =	ssub.s32 $0x0, s20;
	[sflag:s22] =	ssyncset.done $0x0  }
0xa1: {  	[sflag:s22] =	ssyncadd.s32 s5;
	_ =	sdelay $0x1  }
0xa2: {  	s23 =	simm.s32 $0x1B8B  }
0xa3: {  	_ =	swait.ge [sflag:s23], $0x1  }
0xa4: {  	[sflag:s23] =	ssyncset.done $0x0  }
0xa5: {  	s25 =	simm.s32 $0x1B8E;
	s24 =	sld [smem:$0x3FFE];
	[sflag:s23] =	ssyncadd.s32 $0xFFFFFFFF  }
0xa6: {  	s26 =	simm.s32 $execute0_lowered;
	[smem:$0x3FD2] =	sst s25  }
0xa7: {  	s6 =	sshll.u32 s26, $0x1;
	_ =	strace $0x80000046;
	[dreg:$0x1] =	wrdreg $0xFFFFFFFF  }
0xa8: {  	s28 =	simm.s32 $_size_execute0_lowered;
	s4 =	sadd.s32 s4, s6;
	[dreg:$0x0] =	wrdreg $0x0  }
0xa9: {  	s6 =	sshll.u32 s28, $0x1;
	[dreg:$0x2] =	wrdreg s4  }
0xaa: {  	[dreg:$0x3] =	wrdreg s6  }
0xab: {  	[dreg:$0x4] =	wrdreg $0xC0  }
0xac: {  	_ =	task [dreg:s8], $0x5FFFF  }
0xad: {  	[dreg:$0x1] =	wrdreg $0xFFFFFFFF  }
0xae: {  	[dreg:$0x0] =	wrdreg $0x60  }
0xaf: {  	[dreg:$0x2] =	wrdreg s24  }
0xb0: {  	[dreg:$0x3] =	wrdreg s2  }
0xb1: {  	[dreg:$0x4] =	wrdreg s18  }
0xb2: {  	[dreg:$0x5] =	wrdreg $0x9  }
0xb3: {  	_ =	task.clear_ibuf [dreg:s8], $0x6FFFF;
	_ =	strace $0x90000046  }
0xb4: {  	s29 =	simm.s32 $0x9;
	_ =	strace $0x80000048  }
0xb5: {  	_ =	swait.ge [sflag:s29], $0x1  }
0xb6: {  	[sflag:s29] =	ssyncadd.s32 $0xFFFFFFFF  }
0xb7: {  	_ =	strace $0x90000048  }
0xb8: {  	_ =	sfence  }
0xb9: {  	s30 =	sld [smem:$0x0];
	_ =	sdelay $0x2  }
0xba: {  	s31 =	sshll.u32 s1, $0xD;
	s1 =	sshrl.u32 s1, $0x2  }
0xbb: {  	s3 =	sand.u32 $0x4000, s31;
	s1 =	sadd.s32 s1, s30  }
0xbc: {  	s0 =	sor.u32 s3, s0;
	s1 =	sshll.u32 s1, $0x11  }
0xbd: {  	s0 =	sor.u32 s1, s0  }
0xbe: {  	s0 =	sadd.s32 $0x8F2B, s0  }
0xbf: {  	[sflag:s0] =	ssyncadd.remote.s32 $0x1  }
0xc0: {  	_ =	sfence.sel $0xFFFF  }
0xc1: {  	[dreg:$0x0] =	wrdreg $0xFFFFFFFF;
	(pc) =	sbr.abs _section_cstart, $3  }
0xc2: {  	[dreg:$0x1] =	wrdreg $0xFFFFFFFF  }
0xc3: {  	_ =	task.clear_ibuf [dreg:s8], $0x2FFFF;
	_ =	strace $0x9FFFFFFF  }
0xc4: {  	(tm) =	ssettm $0x7FFFFFFF  }
0xc5: {  	_ =	shalt  }
tec
execute0_lowered:
.L_overlay_start_1:
0x0: {  	(tag) =	ssettag $0x1  }
0x1: {  	s3 =	rddreg [dreg:$0x0]  }
0x2: {  	s4 =	rddreg [dreg:$0x1]  }
0x3: {  	s1 =	srdreg.scid;
	s0 =	stileid.u32  }
0x4: {  	s5 =	rddreg [dreg:$0x2];
	s2 =	simm.s32 $0x0;
	s9 =	simm.s32 $0x1  }
0x5: {  	s10 =	simm.s32 $0x4C0;
	s11 =	simm.s32 $0x9610;
	s12 =	simm.s32 $0x32C0  }
0x6: {  	s13 =	simm.s32 $0x3;
	s6 =	sand.u32 $0x1, s1;
	s7 =	sshll.u32 s0, $0x1  }
0x7: {  	s14 =	simm.s32 $0x0;
	s1 =	rddreg [dreg:$0x3];
	s7 =	sor.u32 s6, s7  }
0x8: {  	[smem:$0x7FF] =	sst s2;
	s6 =	ssub.s32 $0x2, s6;
	s7 =	smul.u32 $0x96, s7  }
0x9: {  	s3 =	sadd.s32 $0x400, s3;
	_ =	strace $0x80000047;
	s8 =	sshrl.u32 s6, $0x1  }
0xa: {  	s6 =	ssub.s32 s6, s8;
	s8 =	simm.s32 $0x2;
	s4 =	sadd.s32 s4, s7  }
0xb: {  	s5 =	sadd.s32 s5, s7;
	s6 =	smax.u32 s6, $0x1;
	s7 =	simm.s32 $0x2E00  }
.LBB2_1:
0xc: {  	[tilespmem:s2], [sflag:$0x1] =	stream.linear.gather [hbm4b:s3+s2], $0x2E00, $0x38;
	[tilespmem:$0x7EC0] =	vst v63  }
0xd: {  	_ = 	snop  }
0xe: {  	[tilespmem:s7], [sflag:$0x2] =	stream.linear.gather [hbm4b:s4+s2], $0x4C0, $0x38;
	[tilespmem:$0x7EC0] =	vst v63  }
0xf: {  	_ =	swait.ge [sflag:s8], $0x4C0  }
0x10: {  	[sflag:s8] =	ssyncset.done $0x0  }
0x11: {  	[sflag:s8] =	ssyncadd.s32 $0xFFFFFB40  }
0x12: {  	_ =	swait.ge [sflag:s9], $0x2E00  }
0x13: {  	[sflag:s9] =	ssyncset.done $0x0  }
0x14: {  	s15 =	simm.s32 $0x2E10;
	[sflag:s9] =	ssyncadd.s32 $0xFFFFD200  }
0x15: {  	v4 =	vld [tilespmem:s15+$0x0];
	_ =	sdelay $0x3  }
0x16: {  	v3 =	vld [tilespmem:s15+$0xFFFFFFF0];
	_ =	sdelay $0x3  }
0x17: {  	v0 =	vld.idx.msk [tilespmem:v4+s2+$0x0], $0xffff  }
0x18: {  	v1 =	vadd.s32 $0x2E0, v4;
	_ =	sdelay $0x2  }
0x19: {  	v2 =	vld.idx.msk [tilespmem:v3+s2+$0x0], $0xffff  }
0x1a: {  	v5 =	vadd.s32 $0x2E0, v3;
	[tilespmem:s12+$0x10] =	vst v0  }
0x1b: {  	v0 =	vld.idx.msk [tilespmem:v1+s2+$0x0], $0xffff  }
0x1c: {  	v1 =	vadd.s32 $0x5C0, v4;
	_ =	sdelay $0x1  }
0x1d: {  	[tilespmem:s12+$0x0] =	vst v2  }
0x1e: {  	v2 =	vld.idx.msk [tilespmem:v5+s2+$0x0], $0xffff  }
0x1f: {  	v5 =	vadd.s32 $0x5C0, v3;
	[tilespmem:s12+$0x4D0] =	vst v0  }
0x20: {  	v0 =	vld.idx.msk [tilespmem:v1+s2+$0x0], $0xffff  }
0x21: {  	v1 =	vadd.s32 $0x8A0, v4;
	_ =	sdelay $0x1  }
0x22: {  	[tilespmem:s12+$0x4C0] =	vst v2  }
0x23: {  	v6 =	vld.idx.msk [tilespmem:v5+s2+$0x0], $0xffff  }
0x24: {  	v7 =	vadd.s32 $0x8A0, v3;
	[tilespmem:s12+$0x990] =	vst v0  }
0x25: {  	v1 =	vld.idx.msk [tilespmem:v1+s2+$0x0], $0xffff  }
0x26: {  	v2 =	vadd.s32 $0xB80, v4  }
0x27: {  	s31 =	simm.s32 $0x2E30  }
0x28: {  	v0 =	vld [tilespmem:s31+$0x0];
	[tilespmem:s12+$0x980] =	vst v6  }
0x29: {  	v6 =	vld.idx.msk [tilespmem:v7+s2+$0x0], $0xffff  }
0x2a: {  	v7 =	vadd.s32 $0xB80, v3;
	[tilespmem:s12+$0xE50] =	vst v1  }
0x2b: {  	v1 =	vld.idx.msk [tilespmem:v2+s2+$0x0], $0xffff  }
0x2c: {  	v5 =	vld [tilespmem:s31+$0xFFFFFFF0];
	v2 =	vadd.s32 $0xE60, v4;
	_ =	sdelay $0x1  }
0x2d: {  	[tilespmem:s12+$0xE40] =	vst v6  }
0x2e: {  	v7 =	vld.idx.msk [tilespmem:v7+s2+$0x0], $0xffff  }
0x2f: {  	v11 =	vadd.s32 $0xE60, v3;
	v8 =	vld.idx.msk [tilespmem:v0+s2+$0x0], $0xffff;
	[tilespmem:s12+$0x1310] =	vst v1  }
0x30: {  	v1 =	vld.idx.msk [tilespmem:v2+s2+$0x0], $0xffff;
	v2 =	vadd.s32 $0x2E0, v0;
	_ =	sdelay $0x1  }
0x31: {  	v9 =	vadd.s32 $0x1140, v4  }
0x32: {  	s15 =	simm.s32 $0x32E0;
	v10 =	vld.idx.msk [tilespmem:v5+s2+$0x0], $0xffff;
	[tilespmem:s12+$0x1300] =	vst v7  }
0x33: {  	v6 =	vadd.s32 $0x2E0, v5;
	[tilespmem:s15+$0x10] =	vst v8;
	v7 =	vld.idx.msk [tilespmem:v11+s2+$0x0], $0xffff  }
0x34: {  	v11 =	vadd.s32 $0x1140, v3;
	v2 =	vld.idx.msk [tilespmem:v2+s2+$0x0], $0xffff  }
0x35: {  	v8 =	vadd.s32 $0x5C0, v0;
	[tilespmem:s12+$0x17D0] =	vst v1  }
0x36: {  	v1 =	vld.idx.msk [tilespmem:v9+s2+$0x0], $0xffff  }
0x37: {  	[tilespmem:s15+$0x0] =	vst v10;
	v9 =	vadd.s32 $0x1420, v4  }
0x38: {  	v6 =	vld.idx.msk [tilespmem:v6+s2+$0x0], $0xffff;
	[tilespmem:s12+$0x17C0] =	vst v7  }
0x39: {  	v10 =	vadd.s32 $0x5C0, v5;
	v7 =	vld.idx.msk [tilespmem:v11+s2+$0x0], $0xffff;
	[tilespmem:s15+$0x4D0] =	vst v2  }
0x3a: {  	v11 =	vadd.s32 $0x1420, v3;
	v2 =	vld.idx.msk [tilespmem:v8+s2+$0x0], $0xffff  }
0x3b: {  	[tilespmem:s12+$0x1C90] =	vst v1;
	v8 =	vadd.s32 $0x8A0, v0  }
0x3c: {  	v1 =	vld.idx.msk [tilespmem:v9+s2+$0x0], $0xffff  }
0x3d: {  	[tilespmem:s15+$0x4C0] =	vst v6;
	v6 =	vadd.s32 $0x1700, v4  }
0x3e: {  	[tilespmem:s12+$0x1C80] =	vst v7;
	v9 =	vld.idx.msk [tilespmem:v10+s2+$0x0], $0xffff  }
0x3f: {  	v10 =	vadd.s32 $0x8A0, v5;
	v11 =	vld.idx.msk [tilespmem:v11+s2+$0x0], $0xffff;
	[tilespmem:s15+$0x990] =	vst v2  }
0x40: {  	s16 =	simm.s32 $0x2E50;
	v2 =	vld.idx.msk [tilespmem:v8+s2+$0x0], $0xffff  }
0x41: {  	v12 =	vadd.s32 $0xB80, v0;
	[tilespmem:s12+$0x2150] =	vst v1;
	v1 =	vld [tilespmem:s16+$0x0]  }
0x42: {  	v13 =	vadd.s32 $0x1700, v3;
	v6 =	vld.idx.msk [tilespmem:v6+s2+$0x0], $0xffff  }
0x43: {  	[tilespmem:s15+$0x980] =	vst v9;
	v9 =	vadd.s32 $0x19E0, v4;
	v8 =	vld [tilespmem:s16+$0xFFFFFFF0]  }
0x44: {  	v10 =	vld.idx.msk [tilespmem:v10+s2+$0x0], $0xffff  }
0x45: {  	v7 =	vadd.s32 $0xB80, v5;
	[tilespmem:s15+$0xE50] =	vst v2  }
0x46: {  	[tilespmem:s12+$0x2140] =	vst v11;
	v2 =	vld.idx.msk [tilespmem:v12+s2+$0x0], $0xffff  }
0x47: {  	[tilespmem:s12+$0x2610] =	vst v6;
	v12 =	vld.idx.msk [tilespmem:v13+s2+$0x0], $0xffff  }
0x48: {  	v6 =	vld.idx.msk [tilespmem:v9+s2+$0x0], $0xffff;
	v9 =	vadd.s32 $0xE60, v0  }
0x49: {  	[tilespmem:s15+$0xE40] =	vst v10;
	v13 =	vadd.s32 $0x19E0, v3  }
0x4a: {  	v10 =	vadd.s32 $0x1CC0, v4;
	v7 =	vld.idx.msk [tilespmem:v7+s2+$0x0], $0xffff  }
0x4b: {  	v11 =	vadd.s32 $0xE60, v5;
	v15 =	vld.idx.msk [tilespmem:v8+s2+$0x0], $0xffff;
	[tilespmem:s15+$0x1310] =	vst v2  }
0x4c: {  	v16 =	vadd.s32 $0x2E0, v8;
	v14 =	vld.idx.msk [tilespmem:v1+s2+$0x0], $0xffff;
	[tilespmem:s12+$0x2600] =	vst v12  }
0x4d: {  	v2 =	vld.idx.msk [tilespmem:v9+s2+$0x0], $0xffff;
	[tilespmem:s12+$0x2AD0] =	vst v6;
	v6 =	vadd.s32 $0x2E0, v1  }
0x4e: {  	v13 =	vld.idx.msk [tilespmem:v13+s2+$0x0], $0xffff  }
0x4f: {  	s16 =	simm.s32 $0x3300;
	[tilespmem:s15+$0x1300] =	vst v7;
	v9 =	vld.idx.msk [tilespmem:v10+s2+$0x0], $0xffff;
	v10 =	vadd.s32 $0x1140, v0  }
0x50: {  	v7 =	vadd.s32 $0x1FA0, v4;
	v11 =	vld.idx.msk [tilespmem:v11+s2+$0x0], $0xffff;
	[tilespmem:s16+$0x0] =	vst v15  }
0x51: {  	v12 =	vadd.s32 $0x1140, v5;
	[tilespmem:s16+$0x10] =	vst v14;
	v15 =	vld.idx.msk [tilespmem:v16+s2+$0x0], $0xffff  }
0x52: {  	s17 =	simm.s32 $0x2E70;
	v14 =	vadd.s32 $0x1CC0, v3;
	v6 =	vld.idx.msk [tilespmem:v6+s2+$0x0], $0xffff;
	[tilespmem:s15+$0x17D0] =	vst v2  }
0x53: {  	v27 =	vld [tilespmem:s17+$0xFFFFFFF0];
	v16 =	vadd.s32 $0x5C0, v8;
	[tilespmem:s12+$0x2AC0] =	vst v13  }
0x54: {  	v2 =	vld.idx.msk [tilespmem:v10+s2+$0x0], $0xffff;
	[tilespmem:s12+$0x2F90] =	vst v9;
	v9 =	vadd.s32 $0x5C0, v1  }
0x55: {  	v10 =	vadd.s32 $0x1420, v0;
	[tilespmem:s15+$0x17C0] =	vst v11;
	v7 =	vld.idx.msk [tilespmem:v7+s2+$0x0], $0xffff  }
0x56: {  	v11 =	vadd.s32 $0x2280, v4;
	v12 =	vld.idx.msk [tilespmem:v12+s2+$0x0], $0xffff;
	[tilespmem:s16+$0x4C0] =	vst v15  }
0x57: {  	v13 =	vadd.s32 $0x1420, v5;
	[tilespmem:s16+$0x4D0] =	vst v6;
	v6 =	vld.idx.msk [tilespmem:v14+s2+$0x0], $0xffff  }
0x58: {  	v15 =	vld.idx.msk [tilespmem:v16+s2+$0x0], $0xffff;
	v14 =	vadd.s32 $0x1FA0, v3  }
0x59: {  	v16 =	vadd.s32 $0x8A0, v8;
	v9 =	vld.idx.msk [tilespmem:v9+s2+$0x0], $0xffff;
	[tilespmem:s15+$0x1C90] =	vst v2  }
0x5a: {  	v2 =	vld.idx.msk [tilespmem:v10+s2+$0x0], $0xffff;
	[tilespmem:s12+$0x3450] =	vst v7;
	v7 =	vadd.s32 $0x8A0, v1  }
0x5b: {  	[tilespmem:s15+$0x1C80] =	vst v12;
	v10 =	vld.idx.msk [tilespmem:v11+s2+$0x0], $0xffff  }
0x5c: {  	v11 =	vadd.s32 $0x1700, v0;
	v13 =	vld.idx.msk [tilespmem:v13+s2+$0x0], $0xffff;
	[tilespmem:s12+$0x2F80] =	vst v6  }
0x5d: {  	v12 =	vadd.s32 $0x2560, v4;
	[tilespmem:s16+$0x980] =	vst v15;
	v6 =	vld.idx.msk [tilespmem:v14+s2+$0x0], $0xffff  }
0x5e: {  	[tilespmem:s16+$0x990] =	vst v9;
	v14 =	vld.idx.msk [tilespmem:v16+s2+$0x0], $0xffff  }
0x5f: {  	v16 =	vadd.s32 $0x1700, v5;
	v7 =	vld.idx.msk [tilespmem:v7+s2+$0x0], $0xffff  }
0x60: {  	v17 =	vadd.s32 $0xB80, v8;
	[tilespmem:s15+$0x2150] =	vst v2;
	v2 =	vld [tilespmem:s17+$0x0]  }
0x61: {  	v9 =	vld.idx.msk [tilespmem:v11+s2+$0x0], $0xffff;
	[tilespmem:s12+$0x3910] =	vst v10;
	v10 =	vadd.s32 $0xB80, v1  }
0x62: {  	[tilespmem:s15+$0x2140] =	vst v13;
	v11 =	vld.idx.msk [tilespmem:v12+s2+$0x0], $0xffff;
	v12 =	vadd.s32 $0x19E0, v0  }
0x63: {  	v15 =	vadd.s32 $0x2840, v4;
	[tilespmem:s16+$0xE40] =	vst v14  }
0x64: {  	v13 =	vld.idx.msk [tilespmem:v16+s2+$0x0], $0xffff;
	[tilespmem:s12+$0x3440] =	vst v6  }
0x65: {  	[tilespmem:s16+$0xE50] =	vst v7;
	v6 =	vld.idx.msk [tilespmem:v17+s2+$0x0], $0xffff  }
0x66: {  	v7 =	vadd.s32 $0x2280, v3;
	v10 =	vld.idx.msk [tilespmem:v10+s2+$0x0], $0xffff;
	[tilespmem:s15+$0x2610] =	vst v9  }
0x67: {  	v9 =	vld.idx.msk [tilespmem:v12+s2+$0x0], $0xffff;
	[tilespmem:s12+$0x3DD0] =	vst v11;
	v11 =	vadd.s32 $0xE60, v1  }
0x68: {  	v14 =	vadd.s32 $0x1CC0, v0;
	v12 =	vld.idx.msk [tilespmem:v15+s2+$0x0], $0xffff  }
0x69: {  	v15 =	vadd.s32 $0xE60, v8;
	v16 =	vld.idx.msk [tilespmem:v2+s2+$0x0], $0xffff  }
0x6a: {  	v4 =	vadd.s32 $0x2B20, v4;
	[tilespmem:s15+$0x2600] =	vst v13;
	v13 =	vld.idx.msk [tilespmem:v27+s2+$0x0], $0xffff  }
0x6b: {  	v7 =	vld.idx.msk [tilespmem:v7+s2+$0x0], $0xffff;
	[tilespmem:s16+$0x1310] =	vst v10;
	v10 =	vadd.s32 $0x19E0, v5  }
0x6c: {  	v17 =	vadd.s32 $0x2560, v3;
	v11 =	vld.idx.msk [tilespmem:v11+s2+$0x0], $0xffff;
	[tilespmem:s15+$0x2AD0] =	vst v9  }
0x6d: {  	[tilespmem:s16+$0x1300] =	vst v6;
	v9 =	vadd.s32 $0x2E0, v2;
	v14 =	vld.idx.msk [tilespmem:v14+s2+$0x0], $0xffff  }
0x6e: {  	s17 =	simm.s32 $0x3320;
	[tilespmem:s12+$0x4290] =	vst v12;
	v12 =	vadd.s32 $0x1140, v1;
	v15 =	vld.idx.msk [tilespmem:v15+s2+$0x0], $0xffff  }
0x6f: {  	v6 =	vadd.s32 $0x1FA0, v0;
	[tilespmem:s17+$0x10] =	vst v16;
	v4 =	vld.idx.msk [tilespmem:v4+s2+$0x0], $0xffff  }
0x70: {  	v16 =	vadd.s32 $0x1140, v8;
	[tilespmem:s12+$0x3900] =	vst v7;
	v10 =	vld.idx.msk [tilespmem:v10+s2+$0x0], $0xffff  }
0x71: {  	[tilespmem:s17+$0x0] =	vst v13;
	v7 =	vadd.s32 $0x2E0, v27;
	v13 =	vld.idx.msk [tilespmem:v17+s2+$0x0], $0xffff  }
0x72: {  	v9 =	vld.idx.msk [tilespmem:v9+s2+$0x0], $0xffff;
	[tilespmem:s16+$0x17D0] =	vst v11;
	v11 =	vadd.s32 $0x1CC0, v5  }
0x73: {  	v17 =	vadd.s32 $0x2840, v3;
	v12 =	vld.idx.msk [tilespmem:v12+s2+$0x0], $0xffff;
	[tilespmem:s15+$0x2F90] =	vst v14  }
0x74: {  	v14 =	vadd.s32 $0x5C0, v2;
	[tilespmem:s16+$0x17C0] =	vst v15;
	v6 =	vld.idx.msk [tilespmem:v6+s2+$0x0], $0xffff  }
0x75: {  	[tilespmem:s12+$0x4750] =	vst v4;
	v4 =	vadd.s32 $0x1420, v1;
	v16 =	vld.idx.msk [tilespmem:v16+s2+$0x0], $0xffff  }
0x76: {  	v15 =	vadd.s32 $0x2280, v0;
	v7 =	vld.idx.msk [tilespmem:v7+s2+$0x0], $0xffff;
	[tilespmem:s15+$0x2AC0] =	vst v10  }
0x77: {  	v18 =	vadd.s32 $0x1420, v8;
	[tilespmem:s12+$0x3DC0] =	vst v13;
	v11 =	vld.idx.msk [tilespmem:v11+s2+$0x0], $0xffff  }
0x78: {  	v30 =	vadd.s32 $0x2B20, v3;
	v37 =	vadd.s32 $0x8A0, v27;
	v10 =	vadd.s32 $0x5C0, v27;
	[tilespmem:s17+$0x4D0] =	vst v9;
	v32 =	vld.idx.msk [tilespmem:v17+s2+$0x0], $0xffff  }
0x79: {  	v26 =	vadd.s32 $0xB80, v27;
	v24 =	vadd.s32 $0xE60, v27;
	v20 =	vld.idx.msk [tilespmem:v14+s2+$0x0], $0xffff;
	[tilespmem:s16+$0x1C90] =	vst v12;
	v12 =	vadd.s32 $0x1FA0, v5  }
0x7a: {  	v23 =	vadd.s32 $0x1140, v27;
	v25 =	vadd.s32 $0x1700, v27;
	v22 =	vadd.s32 $0x8A0, v2;
	v21 =	vld.idx.msk [tilespmem:v4+s2+$0x0], $0xffff;
	[tilespmem:s15+$0x3450] =	vst v6  }
0x7b: {  	v35 =	vadd.s32 $0x2560, v0;
	v19 =	vadd.s32 $0x1700, v8;
	v31 =	vadd.s32 $0x1700, v1;
	[tilespmem:s16+$0x1C80] =	vst v16;
	v29 =	vld.idx.msk [tilespmem:v15+s2+$0x0], $0xffff  }
0x7c: {  	v3 =	vadd.s32 $0x2B20, v5;
	v13 =	vadd.s32 $0x2280, v8;
	v9 =	vadd.s32 $0x2280, v5;
	[tilespmem:s17+$0x4C0] =	vst v7;
	v36 =	vld.idx.msk [tilespmem:v18+s2+$0x0], $0xffff  }
0x7d: {  	v17 =	vadd.s32 $0x19E0, v8;
	v14 =	vadd.s32 $0x1FA0, v8;
	v6 =	vadd.s32 $0x2560, v5;
	v34 =	vld.idx.msk [tilespmem:v10+s2+$0x0], $0xffff;
	[tilespmem:s15+$0x2F80] =	vst v11  }
0x7e: {  	v4 =	vadd.s32 $0x2840, v5;
	v5 =	vadd.s32 $0x2B20, v8;
	v16 =	vadd.s32 $0x2280, v27;
	[tilespmem:s17+$0x990] =	vst v20;
	v28 =	vld.idx.msk [tilespmem:v12+s2+$0x0], $0xffff  }
0x7f: {  	v15 =	vadd.s32 $0x1CC0, v8;
	v7 =	vadd.s32 $0x2840, v8;
	v18 =	vadd.s32 $0x1FA0, v27;
	v33 =	vld.idx.msk [tilespmem:v22+s2+$0x0], $0xffff;
	[tilespmem:s16+$0x2150] =	vst v21  }
0x80: {  	v10 =	vadd.s32 $0x2560, v8;
	v8 =	vadd.s32 $0x2B20, v27;
	v11 =	vadd.s32 $0x2840, v27;
	v31 =	vld.idx.msk [tilespmem:v31+s2+$0x0], $0xffff;
	[tilespmem:s15+$0x3910] =	vst v29  }
0x81: {  	[tilespmem:s12+$0x4280] =	vst v32;
	v32 =	vadd.s32 $0x19E0, v1;
	v20 =	vadd.s32 $0x1CC0, v27;
	v29 =	vld.idx.msk [tilespmem:v35+s2+$0x0], $0xffff;
	v35 =	vadd.s32 $0xB80, v2  }
0x82: {  	v12 =	vadd.s32 $0x2560, v27;
	v22 =	vadd.s32 $0x1420, v27;
	v21 =	vadd.s32 $0x19E0, v27;
	v27 =	vld.idx.msk [tilespmem:v30+s2+$0x0], $0xffff;
	[tilespmem:s17+$0x980] =	vst v34  }
0x83: {  	s19 =	simm.s32 $0x60;
	s20 =	simm.s32 $0x2E90;
	s18 =	simm.s32 $0x32C0;
	v30 =	vadd.s32 $0x2840, v0;
	[tilespmem:s16+$0x2140] =	vst v36;
	v34 =	vld.idx.msk [tilespmem:v37+s2+$0x0], $0xffff  }
.LBB2_2:
0x84: {  	v36 =	vld [tilespmem:s20+$0x0];
	s19 =	sadd.s32 $0x20, s19;
	[tilespmem:s15+$0x3440] =	vst v28  }
0x85: {  	v28 =	vld [tilespmem:s20+$0xFFFFFFF0];
	p0 =	slt.u32 s19, $0x4A0;
	[tilespmem:s17+$0xE50] =	vst v33  }
0x86: {  	v33 =	vld.idx.msk [tilespmem:v35+s2+$0x0], $0xffff;
	[tilespmem:s16+$0x2610] =	vst v31  }
0x87: {  	v31 =	vld.idx.msk [tilespmem:v32+s2+$0x0], $0xffff;
	[tilespmem:s15+$0x3DD0] =	vst v29  }
0x88: {  	v29 =	vadd.s32 $0xE60, v2;
	v30 =	vld.idx.msk [tilespmem:v30+s2+$0x0], $0xffff;
	[tilespmem:s18+$0x4740] =	vst v27;
	s18 =	smov.u32 s15;
	s15 =	smov.u32 s16;
	s16 =	smov.u32 s17  }
0x89: {  	v32 =	vadd.s32 $0x1CC0, v1;
	[tilespmem:s17+$0xE40] =	vst v34;
	v27 =	vld.idx.msk [tilespmem:v19+s2+$0x0], $0xffff;
	v19 =	vmov v25  }
0x8a: {  	v38 =	vadd.s32 $0x2B20, v0;
	v0 =	vmovc v1;
	v1 =	vmovc v2;
	v34 =	vadd.s32 $0x2E0, v28;
	v35 =	vadd.s32 $0x5C0, v28;
	v37 =	vld.idx.msk [tilespmem:v26+s2+$0x0], $0xffff  }
0x8b: {  	v2 =	vmovc v36;
	v39 =	vadd.s32 $0x8A0, v28;
	v26 =	vadd.s32 $0xB80, v28;
	v40 =	vadd.s32 $0xE60, v28;
	v41 =	vld.idx.msk [tilespmem:v9+s2+$0x0], $0xffff;
	v9 =	vmovc v13  }
0x8c: {  	v42 =	vadd.s32 $0x1140, v28;
	v43 =	vadd.s32 $0x1420, v28;
	v25 =	vadd.s32 $0x1700, v28;
	v13 =	vmovc v16;
	v36 =	vld.idx.msk [tilespmem:v36+s2+$0x0], $0xffff;
	[tilespmem:s17+$0x1310] =	vst v33  }
0x8d: {  	v44 =	vadd.s32 $0x1CC0, v28;
	v45 =	vadd.s32 $0x1FA0, v28;
	v33 =	vadd.s32 $0x19E0, v28;
	v29 =	vld.idx.msk [tilespmem:v29+s2+$0x0], $0xffff;
	[tilespmem:s15+$0x2AD0] =	vst v31  }
0x8e: {  	v46 =	vadd.s32 $0x2E0, v2;
	v16 =	vadd.s32 $0x2280, v28;
	v31 =	vadd.s32 $0x2560, v28;
	v32 =	vld.idx.msk [tilespmem:v32+s2+$0x0], $0xffff;
	[tilespmem:s18+$0x4290] =	vst v30  }
0x8f: {  	v48 =	vadd.s32 $0x1140, v1;
	v47 =	vadd.s32 $0x2B20, v28;
	v30 =	vadd.s32 $0x2840, v28;
	[tilespmem:s15+$0x2600] =	vst v27;
	v27 =	vld.idx.msk [tilespmem:v38+s2+$0x0], $0xffff  }
0x90: {  	v28 =	vld.idx.msk [tilespmem:v28+s2+$0x0], $0xffff;
	[tilespmem:s17+$0x1300] =	vst v37;
	v37 =	vadd.s32 $0x1FA0, v0  }
0x91: {  	s17 =	sadd.s32 $0x20, s17;
	v38 =	vld.idx.msk [tilespmem:v24+s2+$0x0], $0xffff;
	[tilespmem:s18+$0x3900] =	vst v41;
	v24 =	vmov v40  }
0x92: {  	[tilespmem:s17+$0x10] =	vst v36;
	v36 =	vld.idx.msk [tilespmem:v17+s2+$0x0], $0xffff;
	v17 =	vmov v21;
	v21 =	vmov v33  }
0x93: {  	v33 =	vld.idx.msk [tilespmem:v46+s2+$0x0], $0xffff;
	[tilespmem:s16+$0x17D0] =	vst v29  }
0x94: {  	v29 =	vld.idx.msk [tilespmem:v48+s2+$0x0], $0xffff;
	[tilespmem:s15+$0x2F90] =	vst v32  }
0x95: {  	v32 =	vadd.s32 $0x5C0, v2;
	v37 =	vld.idx.msk [tilespmem:v37+s2+$0x0], $0xffff;
	[tilespmem:s18+$0x4750] =	vst v27  }
0x96: {  	v27 =	vadd.s32 $0x1420, v1;
	[tilespmem:s17+$0x0] =	vst v28;
	v28 =	vld.idx.msk [tilespmem:v6+s2+$0x0], $0xffff;
	v6 =	vmovc v10;
	v10 =	vmov v12;
	v12 =	vmov v31  }
0x97: {  	v31 =	vld.idx.msk [tilespmem:v34+s2+$0x0], $0xffff;
	[tilespmem:s16+$0x17C0] =	vst v38;
	v34 =	vadd.s32 $0x2280, v0  }
0x98: {  	v38 =	vld.idx.msk [tilespmem:v23+s2+$0x0], $0xffff;
	[tilespmem:s15+$0x2AC0] =	vst v36;
	v23 =	vmov v42  }
0x99: {  	[tilespmem:s17+$0x4D0] =	vst v33;
	v33 =	vld.idx.msk [tilespmem:v15+s2+$0x0], $0xffff;
	v15 =	vmov v20;
	v20 =	vmov v44  }
0x9a: {  	v32 =	vld.idx.msk [tilespmem:v32+s2+$0x0], $0xffff;
	[tilespmem:s16+$0x1C90] =	vst v29  }
0x9b: {  	v27 =	vld.idx.msk [tilespmem:v27+s2+$0x0], $0xffff;
	[tilespmem:s15+$0x3450] =	vst v37  }
0x9c: {  	v29 =	vadd.s32 $0x8A0, v2;
	v34 =	vld.idx.msk [tilespmem:v34+s2+$0x0], $0xffff;
	[tilespmem:s18+$0x3DC0] =	vst v28  }
0x9d: {  	[tilespmem:s17+$0x4C0] =	vst v31;
	v31 =	vadd.s32 $0x1700, v1;
	v36 =	vld.idx.msk [tilespmem:v4+s2+$0x0], $0xffff;
	v4 =	vmovc v7;
	v7 =	vmov v11;
	v11 =	vmov v30  }
0x9e: {  	v37 =	vadd.s32 $0x2560, v0;
	v30 =	vld.idx.msk [tilespmem:v35+s2+$0x0], $0xffff;
	[tilespmem:s16+$0x1C80] =	vst v38  }
0x9f: {  	v38 =	vld.idx.msk [tilespmem:v22+s2+$0x0], $0xffff;
	[tilespmem:s15+$0x2F80] =	vst v33;
	v22 =	vmov v43  }
0xa0: {  	[tilespmem:s17+$0x990] =	vst v32;
	v28 =	vld.idx.msk [tilespmem:v14+s2+$0x0], $0xffff;
	v14 =	vmov v18;
	v18 =	vmov v45  }
.Ltmp0:
0xa1: {  	v33 =	vld.idx.msk [tilespmem:v29+s2+$0x0], $0xffff;
	[tilespmem:s16+$0x2150] =	vst v27;
	(pc) =	sbr.rel @p0 .LBB2_2-.Ltmp0, $4  }
0xa2: {  	v31 =	vld.idx.msk [tilespmem:v31+s2+$0x0], $0xffff;
	[tilespmem:s15+$0x3910] =	vst v34  }
0xa3: {  	v35 =	vadd.s32 $0xB80, v2;
	v29 =	vld.idx.msk [tilespmem:v37+s2+$0x0], $0xffff;
	[tilespmem:s18+$0x4280] =	vst v36  }
0xa4: {  	v32 =	vadd.s32 $0x19E0, v1;
	[tilespmem:s17+$0x980] =	vst v30;
	v27 =	vld.idx.msk [tilespmem:v3+s2+$0x0], $0xffff;
	v3 =	vmovc v5;
	v5 =	vmov v8;
	v8 =	vmov v47  }
0xa5: {  	s20 =	sadd.s32 $0x20, s20;
	v30 =	vadd.s32 $0x2840, v0;
	v34 =	vld.idx.msk [tilespmem:v39+s2+$0x0], $0xffff;
	[tilespmem:s16+$0x2140] =	vst v38  }
0xa6: {  	_ =	sdelay $0x2  }
0xa7: {  	[tilespmem:s17+$0xE50] =	vst v33  }
0xa8: {  	v33 =	vld.idx.msk [tilespmem:v35+s2+$0x0], $0xffff;
	[tilespmem:s17+$0xE40] =	vst v34  }
0xa9: {  	v63 =	vadd.s32 $0xE60, v2;
	v26 =	vld.idx.msk [tilespmem:v26+s2+$0x0], $0xffff;
	_ =	sdelay $0x3  }
0xaa: {  	[tilespmem:s17+$0x1310] =	vst v33  }
0xab: {  	v33 =	vld.idx.msk [tilespmem:v63+s2+$0x0], $0xffff;
	[tilespmem:s17+$0x1300] =	vst v26  }
0xac: {  	v36 =	vadd.s32 $0x1140, v2;
	v24 =	vld.idx.msk [tilespmem:v24+s2+$0x0], $0xffff;
	_ =	sdelay $0x3  }
0xad: {  	[tilespmem:s17+$0x17D0] =	vst v33  }
0xae: {  	v26 =	vld.idx.msk [tilespmem:v36+s2+$0x0], $0xffff;
	[tilespmem:s17+$0x17C0] =	vst v24  }
0xaf: {  	v37 =	vadd.s32 $0x1420, v2;
	v23 =	vld.idx.msk [tilespmem:v23+s2+$0x0], $0xffff;
	_ =	sdelay $0x3  }
0xb0: {  	[tilespmem:s17+$0x1C90] =	vst v26  }
0xb1: {  	v24 =	vld.idx.msk [tilespmem:v37+s2+$0x0], $0xffff;
	[tilespmem:s17+$0x1C80] =	vst v23  }
0xb2: {  	v38 =	vadd.s32 $0x1700, v2;
	v22 =	vld.idx.msk [tilespmem:v22+s2+$0x0], $0xffff;
	_ =	sdelay $0x3  }
0xb3: {  	v19 =	vld.idx.msk [tilespmem:v19+s2+$0x0], $0xffff;
	[tilespmem:s17+$0x2150] =	vst v24  }
0xb4: {  	v23 =	vld.idx.msk [tilespmem:v38+s2+$0x0], $0xffff;
	[tilespmem:s17+$0x2140] =	vst v22  }
0xb5: {  	v39 =	vadd.s32 $0x19E0, v2;
	v40 =	vld.idx.msk [tilespmem:v25+s2+$0x0], $0xffff;
	_ =	sdelay $0x1  }
0xb6: {  	[tilespmem:s16+$0x2610] =	vst v31  }
0xb7: {  	v41 =	vld.idx.msk [tilespmem:v32+s2+$0x0], $0xffff;
	[tilespmem:s16+$0x2600] =	vst v19  }
0xb8: {  	v42 =	vadd.s32 $0x1CC0, v1;
	v17 =	vld.idx.msk [tilespmem:v17+s2+$0x0], $0xffff;
	[tilespmem:s17+$0x2610] =	vst v23  }
0xb9: {  	v22 =	vld.idx.msk [tilespmem:v39+s2+$0x0], $0xffff;
	[tilespmem:s17+$0x2600] =	vst v40  }
0xba: {  	v43 =	vadd.s32 $0x1CC0, v2;
	v21 =	vld.idx.msk [tilespmem:v21+s2+$0x0], $0xffff;
	_ =	sdelay $0x1  }
0xbb: {  	[tilespmem:s16+$0x2AD0] =	vst v41  }
0xbc: {  	v19 =	vld.idx.msk [tilespmem:v42+s2+$0x0], $0xffff;
	[tilespmem:s16+$0x2AC0] =	vst v17  }
0xbd: {  	v44 =	vadd.s32 $0x1FA0, v1;
	v15 =	vld.idx.msk [tilespmem:v15+s2+$0x0], $0xffff;
	[tilespmem:s17+$0x2AD0] =	vst v22  }
0xbe: {  	v22 =	vld.idx.msk [tilespmem:v43+s2+$0x0], $0xffff;
	[tilespmem:s17+$0x2AC0] =	vst v21  }
0xbf: {  	v45 =	vadd.s32 $0x1FA0, v2;
	v20 =	vld.idx.msk [tilespmem:v20+s2+$0x0], $0xffff;
	_ =	sdelay $0x1  }
0xc0: {  	[tilespmem:s16+$0x2F90] =	vst v19  }
0xc1: {  	v17 =	vld.idx.msk [tilespmem:v44+s2+$0x0], $0xffff;
	[tilespmem:s16+$0x2F80] =	vst v15  }
0xc2: {  	v46 =	vadd.s32 $0x2280, v1;
	v14 =	vld.idx.msk [tilespmem:v14+s2+$0x0], $0xffff;
	[tilespmem:s17+$0x2F90] =	vst v22  }
0xc3: {  	v47 =	vld.idx.msk [tilespmem:v45+s2+$0x0], $0xffff;
	[tilespmem:s17+$0x2F80] =	vst v20  }
0xc4: {  	v48 =	vadd.s32 $0x2280, v2;
	v18 =	vld.idx.msk [tilespmem:v18+s2+$0x0], $0xffff  }
0xc5: {  	[tilespmem:s15+$0x3440] =	vst v28  }
0xc6: {  	v9 =	vld.idx.msk [tilespmem:v9+s2+$0x0], $0xffff;
	[tilespmem:s16+$0x3450] =	vst v17  }
0xc7: {  	v15 =	vld.idx.msk [tilespmem:v46+s2+$0x0], $0xffff;
	[tilespmem:s16+$0x3440] =	vst v14  }
0xc8: {  	v49 =	vadd.s32 $0x2560, v1;
	v13 =	vld.idx.msk [tilespmem:v13+s2+$0x0], $0xffff;
	[tilespmem:s17+$0x3450] =	vst v47  }
0xc9: {  	v50 =	vld.idx.msk [tilespmem:v48+s2+$0x0], $0xffff;
	[tilespmem:s17+$0x3440] =	vst v18  }
0xca: {  	v51 =	vadd.s32 $0x2560, v2;
	[tilespmem:s15+$0x3DD0] =	vst v29;
	v16 =	vld.idx.msk [tilespmem:v16+s2+$0x0], $0xffff  }
0xcb: {  	[tilespmem:s15+$0x3900] =	vst v9  }
0xcc: {  	v6 =	vld.idx.msk [tilespmem:v6+s2+$0x0], $0xffff;
	[tilespmem:s16+$0x3910] =	vst v15  }
0xcd: {  	v52 =	vld.idx.msk [tilespmem:v49+s2+$0x0], $0xffff;
	[tilespmem:s16+$0x3900] =	vst v13  }
0xce: {  	v53 =	vadd.s32 $0x2840, v1;
	v10 =	vld.idx.msk [tilespmem:v10+s2+$0x0], $0xffff;
	[tilespmem:s17+$0x3910] =	vst v50  }
0xcf: {  	v54 =	vld.idx.msk [tilespmem:v51+s2+$0x0], $0xffff;
	[tilespmem:s17+$0x3900] =	vst v16  }
0xd0: {  	v55 =	vadd.s32 $0x2840, v2;
	[tilespmem:s18+$0x4740] =	vst v27;
	v12 =	vld.idx.msk [tilespmem:v12+s2+$0x0], $0xffff  }
0xd1: {  	v56 =	vld.idx.msk [tilespmem:v30+s2+$0x0], $0xffff;
	[tilespmem:s15+$0x3DC0] =	vst v6  }
0xd2: {  	v0 =	vadd.s32 $0x2B20, v0;
	v4 =	vld.idx.msk [tilespmem:v4+s2+$0x0], $0xffff;
	[tilespmem:s16+$0x3DD0] =	vst v52  }
0xd3: {  	v57 =	vld.idx.msk [tilespmem:v53+s2+$0x0], $0xffff;
	[tilespmem:s16+$0x3DC0] =	vst v10  }
0xd4: {  	v58 =	vadd.s32 $0x2B20, v1;
	v7 =	vld.idx.msk [tilespmem:v7+s2+$0x0], $0xffff;
	[tilespmem:s17+$0x3DD0] =	vst v54  }
0xd5: {  	v59 =	vld.idx.msk [tilespmem:v55+s2+$0x0], $0xffff;
	[tilespmem:s17+$0x3DC0] =	vst v12  }
0xd6: {  	v60 =	vadd.s32 $0x2B20, v2;
	[tilespmem:s15+$0x4290] =	vst v56;
	v61 =	vld.idx.msk [tilespmem:v11+s2+$0x0], $0xffff  }
0xd7: {  	v0 =	vld.idx.msk [tilespmem:v0+s2+$0x0], $0xffff;
	[tilespmem:s15+$0x4280] =	vst v4  }
0xd8: {  	v3 =	vld.idx.msk [tilespmem:v3+s2+$0x0], $0xffff;
	[tilespmem:s16+$0x4290] =	vst v57  }
0xd9: {  	v1 =	vld.idx.msk [tilespmem:v58+s2+$0x0], $0xffff;
	[tilespmem:s16+$0x4280] =	vst v7  }
0xda: {  	v62 =	vld.idx.msk [tilespmem:v5+s2+$0x0], $0xffff;
	[tilespmem:s17+$0x4290] =	vst v59  }
0xdb: {  	v2 =	vld.idx.msk [tilespmem:v60+s2+$0x0], $0xffff;
	[tilespmem:s17+$0x4280] =	vst v61  }
0xdc: {  	[tilespmem:s15+$0x4750] =	vst v0;
	v63 =	vld.idx.msk [tilespmem:v8+s2+$0x0], $0xffff  }
0xdd: {  	[tilespmem:s15+$0x4740] =	vst v3  }
0xde: {  	[tilespmem:s16+$0x4750] =	vst v1  }
0xdf: {  	s14 =	sadd.s32 $0x1, s14;
	[tilespmem:s16+$0x4740] =	vst v62  }
0xe0: {  	p0 =	sne.s32 s14, s6;
	[tilespmem:s17+$0x4750] =	vst v2  }
.Ltmp1:
0xe1: {  	[tilespmem:s17+$0x4740] =	vst v63;
	(pc) =	sbr.rel @p0 .LBB2_1-.Ltmp1, $4  }
0xe2: {  	[hbm4b:s5+s10] =	stream.strided.scatter [tilespmem:s12], [sflag:$0x3], $0x4C00, s11, s10, $0x38;
	[tilespmem:$0x7EC0] =	vst v63  }
0xe3: {  	_ =	swait.ge [sflag:s13], $0x4C00  }
0xe4: {  	[sflag:s13] =	ssyncset.done $0x0  }
0xe5: {  	[sflag:s13] =	ssyncadd.s32 $0xFFFFB400  }
0xe6: {  	_ =	sfence.sel $0x180000  }
0xe7: {  	[bflag:$0x0] =	sbarrier.arrive $0xFFFF  }
0xe8: {  	p0 =	sne.s32 s0, $0x0;
	_ =	strace $0x90000047  }
0xe9: {  	s0 =	sadd.s32 @!p0 $0x100000, s1;
	[bflag:$0x2] =	sbarrier.arrive $0xFFFF  }
0xea: {  	[sflag:s0] =	ssyncadd.tile.s32 @!p0 $0x1;
	_ =	shalt  }
.Lfunc_end2:
_tile_overlayer_lowered:
.L_overlay_start_2:
0xeb: {  	(tag) =	ssettag $0x2  }
0xec: {  	s0 =	rddreg [dreg:$0x0];
	s2 =	stileid.u32  }
0xed: {  	s1 =	rddreg [dreg:$0x1];
	p0 =	sne.s32 s2, $0x0  }
0xee: {  	s3 =	rddreg [dreg:$0x2];
	[bflag:$0x3] =	sbarrier.arrive $0xFFFF;
	s2 =	simm.s32 @!p0 $0x1C03  }
0xef: {  	[timem:s3], [sflag:s2] =	dma.local @!p0 [hbm:s0], s1  }
0xf0: {  	s0 =	simm.s32 @!p0 $0x3  }
0xf1: {  	_ =	swait.ge @!p0 [sflag:s0], s1  }
0xf2: {  	s1 =	ssub.s32 @!p0 $0x0, s1;
	[sflag:s0] =	ssyncset.done @!p0 $0x0  }
0xf3: {  	[sflag:s0] =	ssyncadd.s32 @!p0 s1  }
0xf4: {  	[bflag:$0x3] =	sbarrier.arrive $0xFFFF  }
0xf5: {  	_ =	shalt  }

</sc_bundles>
